<compile_context>
chip_gen: v7x
topology: tpu7x:2x2x1
jax: 0.10.2.dev20260603
libtpu: 0.0.44.dev20260713+nightly
codegen_flags: <defaults>
</compile_context>

<pallas_src>
import functools

import jax
import jax.numpy as jnp
from jax import lax
from jax.experimental import pallas as pl
from jax.experimental.pallas import tpu as pltpu
from jax.experimental.pallas import tpu_sc as plsc

N = 20000
CONF_THRESHOLD = 0.02
NMS_THRESHOLD = 0.4
PRE_NMS_TOPK = 5000
POST_NMS_TOPK = 750
VAR0, VAR1 = 0.1, 0.2
SCALE = 640.0

B = 512
NB = 10
NPAD = NB * B


DGATH = 128
_SC_NC, _SC_NS = 2, 16
_SC_NW = _SC_NC * _SC_NS
_SC_BPW = NPAD // _SC_NW


def _sc_gather_body(table_hbm, idx_hbm, out_hbm, idx_v, rows_v, sem):
    wid = lax.axis_index("s") * _SC_NC + lax.axis_index("c")
    base = wid * _SC_BPW
    pltpu.sync_copy(idx_hbm.at[pl.ds(base, _SC_BPW)], idx_v)
    pltpu.async_copy(table_hbm.at[idx_v], rows_v, sem).wait()
    pltpu.sync_copy(rows_v, out_hbm.at[pl.ds(base, _SC_BPW)])


def _sc_gather(table, idx):
    mesh = plsc.VectorSubcoreMesh(core_axis_name="c", subcore_axis_name="s")
    k = functools.partial(
        pl.kernel, mesh=mesh,
        out_type=jax.ShapeDtypeStruct((NPAD, DGATH), jnp.float32),
        scratch_types=[
            pltpu.VMEM((_SC_BPW,), jnp.int32),
            pltpu.VMEM((_SC_BPW, DGATH), jnp.float32),
            pltpu.SemaphoreType.DMA,
        ],
    )(_sc_gather_body)
    return k(table, idx)


def _mask_body(s_ref, o_ref):
    s = s_ref[:]
    o_ref[:] = jnp.where(s > CONF_THRESHOLD, s, -jnp.inf)


def _nms_body(pc, ts, keep_ref, bx_ref, lm_ref,
              s_ref, tri_ref, id_ref,
              x1_ref, y1_ref, x2_ref, y2_ref, ar_ref):
    f32 = jnp.float32
    lx = pc[0:NB, :]
    ly = pc[NB:2 * NB, :]
    eww = pc[2 * NB:3 * NB, :]
    ewh = pc[3 * NB:4 * NB, :]
    pcx = pc[4 * NB:5 * NB, :]
    pcy = pc[5 * NB:6 * NB, :]
    pw = pc[6 * NB:7 * NB, :]
    ph = pc[7 * NB:8 * NB, :]
    cx = pcx + lx * VAR0 * pw
    cy = pcy + ly * VAR0 * ph
    sw = pw * eww
    sh = ph * ewh
    x1u = cx - sw / 2.0
    y1u = cy - sh / 2.0
    x1 = x1u * SCALE
    y1 = y1u * SCALE
    x2 = (x1u + sw) * SCALE
    y2 = (y1u + sh) * SCALE
    x1_ref[:] = x1
    y1_ref[:] = y1
    x2_ref[:] = x2
    y2_ref[:] = y2
    ar_ref[:] = jnp.maximum(x2 - x1, 0.0) * jnp.maximum(y2 - y1, 0.0)
    bx_ref[:] = jnp.concatenate([x1, y1, x2, y2], axis=0)

    lmpts = []
    for i in range(5):
        lmx = pc[(8 + 2 * i) * NB:(9 + 2 * i) * NB, :]
        lmy = pc[(9 + 2 * i) * NB:(10 + 2 * i) * NB, :]
        lmpts.append((pcx + lmx * VAR0 * pw) * SCALE)
        lmpts.append((pcy + lmy * VAR0 * ph) * SCALE)
    lm_ref[:] = jnp.concatenate(lmpts, axis=0)

    keep_ref[:] = jnp.where(ts[:] > -jnp.inf, 1.0, 0.0)
    rix = jax.lax.broadcasted_iota(jnp.int32, (B, B), 0)
    cix = jax.lax.broadcasted_iota(jnp.int32, (B, B), 1)
    tri_ref[:] = jnp.where(cix > rix, 1.0, 0.0)
    id_ref[:] = jnp.where(cix == rix, 1.0, 0.0)

    def kb_body(kb, carry):
        v8 = jnp.concatenate(
            [x1_ref[pl.ds(kb, 1), :], y1_ref[pl.ds(kb, 1), :],
             x2_ref[pl.ds(kb, 1), :], y2_ref[pl.ds(kb, 1), :],
             ar_ref[pl.ds(kb, 1), :], jnp.zeros((3, B), f32)], axis=0)
        c = jax.lax.dot_general(id_ref[:], v8, (((1,), (1,)), ((), ())),
                                precision=jax.lax.Precision.HIGHEST,
                                preferred_element_type=f32)
        x1r = c[:, 0:1]
        y1r = c[:, 1:2]
        x2r = c[:, 2:3]
        y2r = c[:, 3:4]
        arr = c[:, 4:5]

        def iou_blk(cb):
            x1c = x1_ref[pl.ds(cb, 1), :]
            y1c = y1_ref[pl.ds(cb, 1), :]
            x2c = x2_ref[pl.ds(cb, 1), :]
            y2c = y2_ref[pl.ds(cb, 1), :]
            arc = ar_ref[pl.ds(cb, 1), :]
            xx1 = jnp.maximum(x1r, x1c)
            yy1 = jnp.maximum(y1r, y1c)
            xx2 = jnp.minimum(x2r, x2c)
            yy2 = jnp.minimum(y2r, y2c)
            inter = jnp.maximum(xx2 - xx1, 0.0) * jnp.maximum(yy2 - yy1, 0.0)
            return inter / (arr + arc - inter + 1e-9)

        s_ref[:] = jnp.where(iou_blk(kb) > NMS_THRESHOLD, 1.0, 0.0) * tri_ref[:]
        kv0 = keep_ref[pl.ds(kb, 1), :]

        def fcond(c):
            return c[0]

        def fbody(c):
            _, kv = c
            k8v = jnp.broadcast_to(kv, (8, B))
            sup = jax.lax.dot_general(k8v, s_ref[:], (((1,), (0,)), ((), ())),
                                      preferred_element_type=f32)
            kvn = jnp.where(sup[0:1, :] > 0.5, 0.0, kv0)
            changed = jnp.sum(jnp.abs(kvn - kv)) > 0.0
            return changed, kvn

        _, kv = jax.lax.while_loop(fcond, fbody, (True, kv0))
        keep_ref[pl.ds(kb, 1), :] = kv
        k8 = jnp.broadcast_to(kv, (8, B))

        def jb_body(jb, c2):
            so = jnp.where(iou_blk(jb) > NMS_THRESHOLD, 1.0, 0.0)
            sup = jax.lax.dot_general(k8, so, (((1,), (0,)), ((), ())),
                                      preferred_element_type=f32)
            kj = keep_ref[pl.ds(jb, 1), :]
            keep_ref[pl.ds(jb, 1), :] = jnp.where(sup[0:1, :] > 0.5, 0.0, kj)
            return c2

        jax.lax.fori_loop(kb + 1, NB, jb_body, 0)
        return carry

    jax.lax.fori_loop(0, NB, kb_body, 0)


def kernel(loc, conf, landmarks, priors):
    f32 = jnp.float32
    scores = conf[:, 1]
    masked = pl.pallas_call(
        _mask_body,
        out_shape=jax.ShapeDtypeStruct((8, N // 8), f32),
    )(scores.reshape(8, N // 8)).reshape(N)

    ts, order = jax.lax.top_k(masked, PRE_NMS_TOPK)

    npad = NPAD - PRE_NMS_TOPK
    table = jnp.concatenate(
        [loc, priors, landmarks, jnp.zeros((N, DGATH - 18), f32)], axis=1)
    idx = jnp.concatenate([order, jnp.zeros((npad,), order.dtype)])
    g = _sc_gather(table, idx)
    loc_s = g[:, 0:4]
    pri_s = g[:, 4:8]
    lmk_s = g[:, 8:18]
    ew = jnp.exp(loc_s[:, 2:4] * VAR1)

    fields = jnp.concatenate([loc_s[:, 0:2], ew, pri_s, lmk_s], axis=1)
    pack_c = fields.T.reshape(18 * NB, B)
    tsp = jnp.concatenate([ts, jnp.full((npad,), -jnp.inf, f32)]).reshape(NB, B)

    keep2d, bx, lm = pl.pallas_call(
        _nms_body,
        out_shape=[
            jax.ShapeDtypeStruct((NB, B), f32),
            jax.ShapeDtypeStruct((4 * NB, B), f32),
            jax.ShapeDtypeStruct((10 * NB, B), f32),
        ],
        scratch_shapes=[
            pltpu.VMEM((B, B), f32),
            pltpu.VMEM((B, B), f32),
            pltpu.VMEM((B, B), f32),
            pltpu.VMEM((NB, B), f32),
            pltpu.VMEM((NB, B), f32),
            pltpu.VMEM((NB, B), f32),
            pltpu.VMEM((NB, B), f32),
            pltpu.VMEM((NB, B), f32),
        ],
    )(pack_c, tsp)

    keepb = keep2d.reshape(NPAD)[:PRE_NMS_TOPK] > 0.5
    sel = jnp.where(keepb, ts, -1e30)
    _, keep_order = jax.lax.top_k(sel, POST_NMS_TOPK)
    bxf = bx.reshape(4, NPAD)
    lmf = lm.reshape(10, NPAD)
    det = jnp.take(bxf, keep_order, axis=1).T
    lmg = jnp.take(lmf, keep_order, axis=1).T
    sc = ts[keep_order]
    ks = keepb[keep_order]
    out = jnp.concatenate([det, sc[:, None], lmg], axis=1)
    return jnp.where(ks[:, None], out, 0.0)

# --- scband reference (transcript-rebuilt; emitter-appended) ---
"""Pipeline reference for scband-face-detector-78993038508455 (READ-ONLY COPY).

The authoritative reference and input builder live on the scoring server;
editing this copy changes nothing except your own understanding.
"""

import jax, jax.numpy as jnp
import numpy as np

N = 20000
CONF_THRESHOLD = 0.02
NMS_THRESHOLD = 0.4
PRE_NMS_TOPK = 5000
POST_NMS_TOPK = 750
VAR0, VAR1 = 0.1, 0.2
IMG_W, IMG_H = 640.0, 640.0


def decode(loc, priors):
    centers = priors[:, :2] + loc[:, :2] * VAR0 * priors[:, 2:]
    sizes = priors[:, 2:] * jnp.exp(loc[:, 2:] * VAR1)
    xy1 = centers - sizes / 2.0
    xy2 = xy1 + sizes
    return jnp.concatenate([xy1, xy2], axis=1)


def decode_landmarks(pre, priors):
    pts = [priors[:, :2] + pre[:, 2 * i:2 * i + 2] * VAR0 * priors[:, 2:] for i in range(5)]
    return jnp.concatenate(pts, axis=1)


def iou_matrix(boxes):
    x1, y1, x2, y2 = boxes[:, 0], boxes[:, 1], boxes[:, 2], boxes[:, 3]
    areas = jnp.maximum(x2 - x1, 0.0) * jnp.maximum(y2 - y1, 0.0)
    xx1 = jnp.maximum(x1[:, None], x1[None, :])
    yy1 = jnp.maximum(y1[:, None], y1[None, :])
    xx2 = jnp.minimum(x2[:, None], x2[None, :])
    yy2 = jnp.minimum(y2[:, None], y2[None, :])
    inter = jnp.maximum(xx2 - xx1, 0.0) * jnp.maximum(yy2 - yy1, 0.0)
    return inter / (areas[:, None] + areas[None, :] - inter + 1e-9)


def greedy_nms_keep(ious, valid):
    idx = jnp.arange(PRE_NMS_TOPK)

    def body(i, keep):
        suppress = keep[i] & (ious[i] > NMS_THRESHOLD) & (idx > i)
        return keep & (~suppress)

    return jax.lax.fori_loop(0, PRE_NMS_TOPK, body, valid)


def setup_inputs(seed: int = 0) -> dict:
    key = jax.random.key(seed)
    k1, k2, k3, k4 = jax.random.split(key, 4)
    return {
        "loc": jax.random.normal(k1, (N, 4), dtype=jnp.float32),
        "conf": jax.random.uniform(k2, (N, 2), dtype=jnp.float32),
        "landmarks": jax.random.normal(k3, (N, 10), dtype=jnp.float32),
        "priors": jax.random.uniform(k4, (N, 4), dtype=jnp.float32),
    }


def reference(loc, conf, landmarks, priors):
    boxes = decode(loc, priors) * jnp.array([IMG_W, IMG_H, IMG_W, IMG_H], dtype=jnp.float32)
    lms = decode_landmarks(landmarks, priors) * jnp.array([IMG_W, IMG_H] * 5, dtype=jnp.float32)
    scores = conf[:, 1]
    # confidence threshold (fixed-shape variant of boolean masking)
    masked = jnp.where(scores > CONF_THRESHOLD, scores, -jnp.inf)
    top_scores, order = jax.lax.top_k(masked, PRE_NMS_TOPK)
    boxes_s = boxes[order]
    lms_s = lms[order]
    scores_s = scores[order]
    valid = top_scores > -jnp.inf
    # greedy NMS over sorted candidates
    ious = iou_matrix(boxes_s)
    keep = greedy_nms_keep(ious, valid)
    sel_scores = jnp.where(keep, scores_s, -1e30)
    _, keep_order = jax.lax.top_k(sel_scores, POST_NMS_TOPK)
    det = boxes_s[keep_order]
    sc = scores_s[keep_order]
    lm = lms_s[keep_order]
    out = jnp.concatenate([det, sc[:, None], lm], axis=1)
    out = out * keep[keep_order][:, None].astype(out.dtype)
    return out

if __name__ == "__main__":
    import jax
    _d = setup_inputs()
    print(jax.jit(kernel)(*tuple(_d.values())))

</pallas_src>

<mosaic_0001>
#map = affine_map<(d0, d1) -> (0, 0)>
#map1 = affine_map<(d0, d1) -> (0)>
module attributes {stable_mosaic.version = 14 : i64} {
  func.func @_sc_gather_body(%arg0: i32, %arg1: i32, %arg2: memref<20000x128xf32, #tpu.memory_space<hbm>>, %arg3: memref<5120xi32, #tpu.memory_space<hbm>>, %arg4: memref<5120x128xf32, #tpu.memory_space<hbm>>, %arg5: memref<160xi32, #tpu.memory_space<vmem>>, %arg6: memref<160x128xf32, #tpu.memory_space<vmem>>, %arg7: memref<!tpu.dma_semaphore, #tpu.memory_space<semaphore_mem>>) attributes {dimension_semantics = [#tpu.dimension_semantics<core_parallel>, #tpu.dimension_semantics<subcore_parallel>], iteration_bounds = array<i64: 2, 16>, scalar_prefetch = 0 : i64, scratch_operands = 3 : i64, tpu.core_type = #tpu.core_type<sc_vector_subcore>, window_params = [{transform_indices = #map}, {transform_indices = #map1}, {transform_indices = #map}]} {
    %mul3A = arith.constant 2 : i32
    %mul3A_0 = arith.muli %arg1, %mul3A : i32
    %add3A = arith.addi %mul3A_0, %arg0 : i32
    %mul3A_1 = arith.constant 160 : i32
    %mul3A_2 = arith.muli %add3A, %mul3A_1 : i32
    "tpu.region"() ({
      %run_scoped3A = tpu.sem_alloc : memref<!tpu.dma_semaphore, #tpu.memory_space<semaphore_mem>>
      %dma_start3A_7 = tpu.memref_slice %arg3[%mul3A_2] : memref<5120xi32, #tpu.memory_space<hbm>> -> memref<160xi32, #tpu.memory_space<hbm>>
      %dma_start3A_8 = tpu.memref_slice %arg3[%mul3A_2] : memref<5120xi32, #tpu.memory_space<hbm>> -> memref<160xi32, #tpu.memory_space<hbm>>
      tpu.enqueue_dma source(%dma_start3A_8 : memref<160xi32, #tpu.memory_space<hbm>>) target(%arg5 : memref<160xi32, #tpu.memory_space<vmem>>) target_semaphore(%run_scoped3A : memref<!tpu.dma_semaphore, #tpu.memory_space<semaphore_mem>>)
      %dma_wait3A_9 = tpu.memref_slice %arg3[%mul3A_2] : memref<5120xi32, #tpu.memory_space<hbm>> -> memref<160xi32, #tpu.memory_space<hbm>>
      %dma_wait3A_10 = tpu.memref_slice %arg3[%mul3A_2] : memref<5120xi32, #tpu.memory_space<hbm>> -> memref<160xi32, #tpu.memory_space<hbm>>
      tpu.wait_dma2 semaphore(%run_scoped3A : memref<!tpu.dma_semaphore, #tpu.memory_space<semaphore_mem>>) src(%dma_wait3A_10 : memref<160xi32, #tpu.memory_space<hbm>>) dst(%arg5 : memref<160xi32, #tpu.memory_space<vmem>>)
      tpu.yield
    }) : () -> ()
    %dma_start3A = arith.constant 0 : i32
    %dma_start3A_3 = arith.constant 0 : i32
    %dma_start3A_4 = tpu.memref_slice %arg2[%dma_start3A, %dma_start3A_3] : memref<20000x128xf32, #tpu.memory_space<hbm>> -> memref<20000x128xf32, #tpu.memory_space<hbm>>
    tpu.enqueue_indirect_dma source(%dma_start3A_4 : memref<20000x128xf32, #tpu.memory_space<hbm>>) target(%arg6 : memref<160x128xf32, #tpu.memory_space<vmem>>) offsets(%arg5 : memref<160xi32, #tpu.memory_space<vmem>>) semaphore(%arg7 : memref<!tpu.dma_semaphore, #tpu.memory_space<semaphore_mem>>)
    %dma_wait3A = arith.constant 0 : i32
    %dma_wait3A_5 = arith.constant 0 : i32
    %dma_wait3A_6 = tpu.memref_slice %arg2[%dma_wait3A, %dma_wait3A_5] : memref<20000x128xf32, #tpu.memory_space<hbm>> -> memref<20000x128xf32, #tpu.memory_space<hbm>>
    tpu.wait_indirect_dma semaphore(%arg7 : memref<!tpu.dma_semaphore, #tpu.memory_space<semaphore_mem>>) src(%dma_wait3A_6 : memref<20000x128xf32, #tpu.memory_space<hbm>>) dst(%arg6 : memref<160x128xf32, #tpu.memory_space<vmem>>)
    "tpu.region"() ({
      %run_scoped3A = tpu.sem_alloc : memref<!tpu.dma_semaphore, #tpu.memory_space<semaphore_mem>>
      %dma_start3A_7 = arith.constant 0 : i32
      %dma_start3A_8 = tpu.memref_slice %arg4[%mul3A_2, %dma_start3A_7] : memref<5120x128xf32, #tpu.memory_space<hbm>> -> memref<160x128xf32, #tpu.memory_space<hbm>>
      %dma_start3A_9 = arith.constant 0 : i32
      %dma_start3A_10 = tpu.memref_slice %arg4[%mul3A_2, %dma_start3A_9] : memref<5120x128xf32, #tpu.memory_space<hbm>> -> memref<160x128xf32, #tpu.memory_space<hbm>>
      tpu.enqueue_dma source(%arg6 : memref<160x128xf32, #tpu.memory_space<vmem>>) target(%dma_start3A_10 : memref<160x128xf32, #tpu.memory_space<hbm>>) target_semaphore(%run_scoped3A : memref<!tpu.dma_semaphore, #tpu.memory_space<semaphore_mem>>)
      %dma_wait3A_11 = arith.constant 0 : i32
      %dma_wait3A_12 = tpu.memref_slice %arg4[%mul3A_2, %dma_wait3A_11] : memref<5120x128xf32, #tpu.memory_space<hbm>> -> memref<160x128xf32, #tpu.memory_space<hbm>>
      %dma_wait3A_13 = arith.constant 0 : i32
      %dma_wait3A_14 = tpu.memref_slice %arg4[%mul3A_2, %dma_wait3A_13] : memref<5120x128xf32, #tpu.memory_space<hbm>> -> memref<160x128xf32, #tpu.memory_space<hbm>>
      tpu.wait_dma2 semaphore(%run_scoped3A : memref<!tpu.dma_semaphore, #tpu.memory_space<semaphore_mem>>) src(%arg6 : memref<160x128xf32, #tpu.memory_space<vmem>>) dst(%dma_wait3A_14 : memref<160x128xf32, #tpu.memory_space<hbm>>)
      tpu.yield
    }) : () -> ()
    return
  }
}

module attributes {stable_mosaic.version = 14 : i64} {
  func.func @_mask_body(%arg0: memref<8x2500xf32, #tpu.memory_space<vmem>>, %arg1: memref<8x2500xf32, #tpu.memory_space<vmem>>) attributes {dimension_semantics = [], scalar_prefetch = 0 : i64, scratch_operands = 0 : i64, tpu.core_type = #tpu.core_type<tc>} {
    %get3A = arith.constant 0 : index
    %get3A_0 = arith.constant 0 : index
    %get3A_1 = vector.load %arg0[%get3A, %get3A_0] : memref<8x2500xf32, #tpu.memory_space<vmem>>, vector<8x2500xf32>
    %gt3A = arith.constant 2.000000e-02 : f32
    %gt3A_2 = vector.broadcast %gt3A : f32 to vector<8x2500xf32>
    %gt3A_3 = arith.cmpf ogt, %get3A_1, %gt3A_2 : vector<8x2500xf32>
    %jit3A = arith.constant 0xFF800000 : f32
    %broadcast_in_dim3A = vector.broadcast %jit3A : f32 to vector<8x2500xf32>
    %select_n3A = arith.select %gt3A_3, %get3A_1, %broadcast_in_dim3A : vector<8x2500xi1>, vector<8x2500xf32>
    %swap3A = arith.constant 0 : index
    %swap3A_4 = arith.constant 0 : index
    %swap3A_5 = vector.load %arg1[%swap3A, %swap3A_4] : memref<8x2500xf32, #tpu.memory_space<vmem>>, vector<8x2500xf32>
    tpu.vector_store %arg1[%swap3A, %swap3A_4], %select_n3A {strides = array<i32>} : memref<8x2500xf32, #tpu.memory_space<vmem>>, vector<8x2500xf32>,
    return
  }
}

module attributes {stable_mosaic.version = 14 : i64} {
  func.func @_nms_body(%arg0: memref<180x512xf32, #tpu.memory_space<vmem>>, %arg1: memref<10x512xf32, #tpu.memory_space<vmem>>, %arg2: memref<10x512xf32, #tpu.memory_space<vmem>>, %arg3: memref<40x512xf32, #tpu.memory_space<vmem>>, %arg4: memref<100x512xf32, #tpu.memory_space<vmem>>, %arg5: memref<512x512xf32, #tpu.memory_space<vmem>>, %arg6: memref<512x512xf32, #tpu.memory_space<vmem>>, %arg7: memref<512x512xf32, #tpu.memory_space<vmem>>, %arg8: memref<10x512xf32, #tpu.memory_space<vmem>>, %arg9: memref<10x512xf32, #tpu.memory_space<vmem>>, %arg10: memref<10x512xf32, #tpu.memory_space<vmem>>, %arg11: memref<10x512xf32, #tpu.memory_space<vmem>>, %arg12: memref<10x512xf32, #tpu.memory_space<vmem>>) attributes {dimension_semantics = [], scalar_prefetch = 0 : i64, scratch_operands = 8 : i64, tpu.core_type = #tpu.core_type<tc>} {
    %get3A = arith.constant 0 : index
    %get3A_0 = arith.constant 0 : index
    %get3A_1 = vector.load %arg0[%get3A, %get3A_0] : memref<180x512xf32, #tpu.memory_space<vmem>>, vector<10x512xf32>
    %get3A_2 = arith.constant 10 : index
    %get3A_3 = arith.constant 0 : index
    %get3A_4 = vector.load %arg0[%get3A_2, %get3A_3] : memref<180x512xf32, #tpu.memory_space<vmem>>, vector<10x512xf32>
    %get3A_5 = arith.constant 20 : index
    %get3A_6 = arith.constant 0 : index
    %get3A_7 = vector.load %arg0[%get3A_5, %get3A_6] : memref<180x512xf32, #tpu.memory_space<vmem>>, vector<10x512xf32>
    %get3A_8 = arith.constant 30 : index
    %get3A_9 = arith.constant 0 : index
    %get3A_10 = vector.load %arg0[%get3A_8, %get3A_9] : memref<180x512xf32, #tpu.memory_space<vmem>>, vector<10x512xf32>
    %get3A_11 = arith.constant 40 : index
    %get3A_12 = arith.constant 0 : index
    %get3A_13 = vector.load %arg0[%get3A_11, %get3A_12] : memref<180x512xf32, #tpu.memory_space<vmem>>, vector<10x512xf32>
    %get3A_14 = arith.constant 50 : index
    %get3A_15 = arith.constant 0 : index
    %get3A_16 = vector.load %arg0[%get3A_14, %get3A_15] : memref<180x512xf32, #tpu.memory_space<vmem>>, vector<10x512xf32>
    %get3A_17 = arith.constant 60 : index
    %get3A_18 = arith.constant 0 : index
    %get3A_19 = vector.load %arg0[%get3A_17, %get3A_18] : memref<180x512xf32, #tpu.memory_space<vmem>>, vector<10x512xf32>
    %get3A_20 = arith.constant 70 : index
    %get3A_21 = arith.constant 0 : index
    %get3A_22 = vector.load %arg0[%get3A_20, %get3A_21] : memref<180x512xf32, #tpu.memory_space<vmem>>, vector<10x512xf32>
    %mul3A = arith.constant 1.000000e-01 : f32
    %mul3A_23 = vector.broadcast %mul3A : f32 to vector<10x512xf32>
    %mul3A_24 = arith.mulf %get3A_1, %mul3A_23 : vector<10x512xf32>
    %mul3A_25 = arith.mulf %mul3A_24, %get3A_19 : vector<10x512xf32>
    %add3A = arith.addf %get3A_13, %mul3A_25 : vector<10x512xf32>
    %mul3A_26 = arith.constant 1.000000e-01 : f32
    %mul3A_27 = vector.broadcast %mul3A_26 : f32 to vector<10x512xf32>
    %mul3A_28 = arith.mulf %get3A_4, %mul3A_27 : vector<10x512xf32>
    %mul3A_29 = arith.mulf %mul3A_28, %get3A_22 : vector<10x512xf32>
    %add3A_30 = arith.addf %get3A_16, %mul3A_29 : vector<10x512xf32>
    %mul3A_31 = arith.mulf %get3A_19, %get3A_7 : vector<10x512xf32>
    %mul3A_32 = arith.mulf %get3A_22, %get3A_10 : vector<10x512xf32>
    %div3A = arith.constant 2.000000e+00 : f32
    %div3A_33 = vector.broadcast %div3A : f32 to vector<10x512xf32>
    %div3A_34 = arith.divf %mul3A_31, %div3A_33 : vector<10x512xf32>
    %sub3A = arith.subf %add3A, %div3A_34 : vector<10x512xf32>
    %div3A_35 = arith.constant 2.000000e+00 : f32
    %div3A_36 = vector.broadcast %div3A_35 : f32 to vector<10x512xf32>
    %div3A_37 = arith.divf %mul3A_32, %div3A_36 : vector<10x512xf32>
    %sub3A_38 = arith.subf %add3A_30, %div3A_37 : vector<10x512xf32>
    %mul3A_39 = arith.constant 6.400000e+02 : f32
    %mul3A_40 = vector.broadcast %mul3A_39 : f32 to vector<10x512xf32>
    %mul3A_41 = arith.mulf %sub3A, %mul3A_40 : vector<10x512xf32>
    %mul3A_42 = arith.constant 6.400000e+02 : f32
    %mul3A_43 = vector.broadcast %mul3A_42 : f32 to vector<10x512xf32>
    %mul3A_44 = arith.mulf %sub3A_38, %mul3A_43 : vector<10x512xf32>
    %add3A_45 = arith.addf %sub3A, %mul3A_31 : vector<10x512xf32>
    %mul3A_46 = arith.constant 6.400000e+02 : f32
    %mul3A_47 = vector.broadcast %mul3A_46 : f32 to vector<10x512xf32>
    %mul3A_48 = arith.mulf %add3A_45, %mul3A_47 : vector<10x512xf32>
    %add3A_49 = arith.addf %sub3A_38, %mul3A_32 : vector<10x512xf32>
    %mul3A_50 = arith.constant 6.400000e+02 : f32
    %mul3A_51 = vector.broadcast %mul3A_50 : f32 to vector<10x512xf32>
    %mul3A_52 = arith.mulf %add3A_49, %mul3A_51 : vector<10x512xf32>
    %swap3A = arith.constant 0 : index
    %swap3A_53 = arith.constant 0 : index
    %swap3A_54 = vector.load %arg8[%swap3A, %swap3A_53] : memref<10x512xf32, #tpu.memory_space<vmem>>, vector<10x512xf32>
    tpu.vector_store %arg8[%swap3A, %swap3A_53], %mul3A_41 {strides = array<i32>} : memref<10x512xf32, #tpu.memory_space<vmem>>, vector<10x512xf32>,
    %swap3A_55 = arith.constant 0 : index
    %swap3A_56 = arith.constant 0 : index
    %swap3A_57 = vector.load %arg9[%swap3A_55, %swap3A_56] : memref<10x512xf32, #tpu.memory_space<vmem>>, vector<10x512xf32>
    tpu.vector_store %arg9[%swap3A_55, %swap3A_56], %mul3A_44 {strides = array<i32>} : memref<10x512xf32, #tpu.memory_space<vmem>>, vector<10x512xf32>,
    %swap3A_58 = arith.constant 0 : index
    %swap3A_59 = arith.constant 0 : index
    %swap3A_60 = vector.load %arg10[%swap3A_58, %swap3A_59] : memref<10x512xf32, #tpu.memory_space<vmem>>, vector<10x512xf32>
    tpu.vector_store %arg10[%swap3A_58, %swap3A_59], %mul3A_48 {strides = array<i32>} : memref<10x512xf32, #tpu.memory_space<vmem>>, vector<10x512xf32>,
    %swap3A_61 = arith.constant 0 : index
    %swap3A_62 = arith.constant 0 : index
    %swap3A_63 = vector.load %arg11[%swap3A_61, %swap3A_62] : memref<10x512xf32, #tpu.memory_space<vmem>>, vector<10x512xf32>
    tpu.vector_store %arg11[%swap3A_61, %swap3A_62], %mul3A_52 {strides = array<i32>} : memref<10x512xf32, #tpu.memory_space<vmem>>, vector<10x512xf32>,
    %sub3A_64 = arith.subf %mul3A_48, %mul3A_41 : vector<10x512xf32>
    %max3A = arith.constant 0.000000e+00 : f32
    %max3A_65 = vector.broadcast %max3A : f32 to vector<10x512xf32>
    %max3A_66 = arith.maximumf %sub3A_64, %max3A_65 : vector<10x512xf32>
    %sub3A_67 = arith.subf %mul3A_52, %mul3A_44 : vector<10x512xf32>
    %max3A_68 = arith.constant 0.000000e+00 : f32
    %max3A_69 = vector.broadcast %max3A_68 : f32 to vector<10x512xf32>
    %max3A_70 = arith.maximumf %sub3A_67, %max3A_69 : vector<10x512xf32>
    %mul3A_71 = arith.mulf %max3A_66, %max3A_70 : vector<10x512xf32>
    %swap3A_72 = arith.constant 0 : index
    %swap3A_73 = arith.constant 0 : index
    %swap3A_74 = vector.load %arg12[%swap3A_72, %swap3A_73] : memref<10x512xf32, #tpu.memory_space<vmem>>, vector<10x512xf32>
    tpu.vector_store %arg12[%swap3A_72, %swap3A_73], %mul3A_71 {strides = array<i32>} : memref<10x512xf32, #tpu.memory_space<vmem>>, vector<10x512xf32>,
    %concatenate3A = tpu.concatenate %mul3A_41, %mul3A_44, %mul3A_48, %mul3A_52 in 0 : vector<10x512xf32>, vector<10x512xf32>, vector<10x512xf32>, vector<10x512xf32> -> vector<40x512xf32>
    %swap3A_75 = arith.constant 0 : index
    %swap3A_76 = arith.constant 0 : index
    %swap3A_77 = vector.load %arg3[%swap3A_75, %swap3A_76] : memref<40x512xf32, #tpu.memory_space<vmem>>, vector<40x512xf32>
    tpu.vector_store %arg3[%swap3A_75, %swap3A_76], %concatenate3A {strides = array<i32>} : memref<40x512xf32, #tpu.memory_space<vmem>>, vector<40x512xf32>,
    %get3A_78 = arith.constant 80 : index
    %get3A_79 = arith.constant 0 : index
    %get3A_80 = vector.load %arg0[%get3A_78, %get3A_79] : memref<180x512xf32, #tpu.memory_space<vmem>>, vector<10x512xf32>
    %get3A_81 = arith.constant 90 : index
    %get3A_82 = arith.constant 0 : index
    %get3A_83 = vector.load %arg0[%get3A_81, %get3A_82] : memref<180x512xf32, #tpu.memory_space<vmem>>, vector<10x512xf32>
    %mul3A_84 = arith.constant 1.000000e-01 : f32
    %mul3A_85 = vector.broadcast %mul3A_84 : f32 to vector<10x512xf32>
    %mul3A_86 = arith.mulf %get3A_80, %mul3A_85 : vector<10x512xf32>
    %mul3A_87 = arith.mulf %mul3A_86, %get3A_19 : vector<10x512xf32>
    %add3A_88 = arith.addf %get3A_13, %mul3A_87 : vector<10x512xf32>
    %mul3A_89 = arith.constant 6.400000e+02 : f32
    %mul3A_90 = vector.broadcast %mul3A_89 : f32 to vector<10x512xf32>
    %mul3A_91 = arith.mulf %add3A_88, %mul3A_90 : vector<10x512xf32>
    %mul3A_92 = arith.constant 1.000000e-01 : f32
    %mul3A_93 = vector.broadcast %mul3A_92 : f32 to vector<10x512xf32>
    %mul3A_94 = arith.mulf %get3A_83, %mul3A_93 : vector<10x512xf32>
    %mul3A_95 = arith.mulf %mul3A_94, %get3A_22 : vector<10x512xf32>
    %add3A_96 = arith.addf %get3A_16, %mul3A_95 : vector<10x512xf32>
    %mul3A_97 = arith.constant 6.400000e+02 : f32
    %mul3A_98 = vector.broadcast %mul3A_97 : f32 to vector<10x512xf32>
    %mul3A_99 = arith.mulf %add3A_96, %mul3A_98 : vector<10x512xf32>
    %get3A_100 = arith.constant 100 : index
    %get3A_101 = arith.constant 0 : index
    %get3A_102 = vector.load %arg0[%get3A_100, %get3A_101] : memref<180x512xf32, #tpu.memory_space<vmem>>, vector<10x512xf32>
    %get3A_103 = arith.constant 110 : index
    %get3A_104 = arith.constant 0 : index
    %get3A_105 = vector.load %arg0[%get3A_103, %get3A_104] : memref<180x512xf32, #tpu.memory_space<vmem>>, vector<10x512xf32>
    %mul3A_106 = arith.constant 1.000000e-01 : f32
    %mul3A_107 = vector.broadcast %mul3A_106 : f32 to vector<10x512xf32>
    %mul3A_108 = arith.mulf %get3A_102, %mul3A_107 : vector<10x512xf32>
    %mul3A_109 = arith.mulf %mul3A_108, %get3A_19 : vector<10x512xf32>
    %add3A_110 = arith.addf %get3A_13, %mul3A_109 : vector<10x512xf32>
    %mul3A_111 = arith.constant 6.400000e+02 : f32
    %mul3A_112 = vector.broadcast %mul3A_111 : f32 to vector<10x512xf32>
    %mul3A_113 = arith.mulf %add3A_110, %mul3A_112 : vector<10x512xf32>
    %mul3A_114 = arith.constant 1.000000e-01 : f32
    %mul3A_115 = vector.broadcast %mul3A_114 : f32 to vector<10x512xf32>
    %mul3A_116 = arith.mulf %get3A_105, %mul3A_115 : vector<10x512xf32>
    %mul3A_117 = arith.mulf %mul3A_116, %get3A_22 : vector<10x512xf32>
    %add3A_118 = arith.addf %get3A_16, %mul3A_117 : vector<10x512xf32>
    %mul3A_119 = arith.constant 6.400000e+02 : f32
    %mul3A_120 = vector.broadcast %mul3A_119 : f32 to vector<10x512xf32>
    %mul3A_121 = arith.mulf %add3A_118, %mul3A_120 : vector<10x512xf32>
    %get3A_122 = arith.constant 120 : index
    %get3A_123 = arith.constant 0 : index
    %get3A_124 = vector.load %arg0[%get3A_122, %get3A_123] : memref<180x512xf32, #tpu.memory_space<vmem>>, vector<10x512xf32>
    %get3A_125 = arith.constant 130 : index
    %get3A_126 = arith.constant 0 : index
    %get3A_127 = vector.load %arg0[%get3A_125, %get3A_126] : memref<180x512xf32, #tpu.memory_space<vmem>>, vector<10x512xf32>
    %mul3A_128 = arith.constant 1.000000e-01 : f32
    %mul3A_129 = vector.broadcast %mul3A_128 : f32 to vector<10x512xf32>
    %mul3A_130 = arith.mulf %get3A_124, %mul3A_129 : vector<10x512xf32>
    %mul3A_131 = arith.mulf %mul3A_130, %get3A_19 : vector<10x512xf32>
    %add3A_132 = arith.addf %get3A_13, %mul3A_131 : vector<10x512xf32>
    %mul3A_133 = arith.constant 6.400000e+02 : f32
    %mul3A_134 = vector.broadcast %mul3A_133 : f32 to vector<10x512xf32>
    %mul3A_135 = arith.mulf %add3A_132, %mul3A_134 : vector<10x512xf32>
    %mul3A_136 = arith.constant 1.000000e-01 : f32
    %mul3A_137 = vector.broadcast %mul3A_136 : f32 to vector<10x512xf32>
    %mul3A_138 = arith.mulf %get3A_127, %mul3A_137 : vector<10x512xf32>
    %mul3A_139 = arith.mulf %mul3A_138, %get3A_22 : vector<10x512xf32>
    %add3A_140 = arith.addf %get3A_16, %mul3A_139 : vector<10x512xf32>
    %mul3A_141 = arith.constant 6.400000e+02 : f32
    %mul3A_142 = vector.broadcast %mul3A_141 : f32 to vector<10x512xf32>
    %mul3A_143 = arith.mulf %add3A_140, %mul3A_142 : vector<10x512xf32>
    %get3A_144 = arith.constant 140 : index
    %get3A_145 = arith.constant 0 : index
    %get3A_146 = vector.load %arg0[%get3A_144, %get3A_145] : memref<180x512xf32, #tpu.memory_space<vmem>>, vector<10x512xf32>
    %get3A_147 = arith.constant 150 : index
    %get3A_148 = arith.constant 0 : index
    %get3A_149 = vector.load %arg0[%get3A_147, %get3A_148] : memref<180x512xf32, #tpu.memory_space<vmem>>, vector<10x512xf32>
    %mul3A_150 = arith.constant 1.000000e-01 : f32
    %mul3A_151 = vector.broadcast %mul3A_150 : f32 to vector<10x512xf32>
    %mul3A_152 = arith.mulf %get3A_146, %mul3A_151 : vector<10x512xf32>
    %mul3A_153 = arith.mulf %mul3A_152, %get3A_19 : vector<10x512xf32>
    %add3A_154 = arith.addf %get3A_13, %mul3A_153 : vector<10x512xf32>
    %mul3A_155 = arith.constant 6.400000e+02 : f32
    %mul3A_156 = vector.broadcast %mul3A_155 : f32 to vector<10x512xf32>
    %mul3A_157 = arith.mulf %add3A_154, %mul3A_156 : vector<10x512xf32>
    %mul3A_158 = arith.constant 1.000000e-01 : f32
    %mul3A_159 = vector.broadcast %mul3A_158 : f32 to vector<10x512xf32>
    %mul3A_160 = arith.mulf %get3A_149, %mul3A_159 : vector<10x512xf32>
    %mul3A_161 = arith.mulf %mul3A_160, %get3A_22 : vector<10x512xf32>
    %add3A_162 = arith.addf %get3A_16, %mul3A_161 : vector<10x512xf32>
    %mul3A_163 = arith.constant 6.400000e+02 : f32
    %mul3A_164 = vector.broadcast %mul3A_163 : f32 to vector<10x512xf32>
    %mul3A_165 = arith.mulf %add3A_162, %mul3A_164 : vector<10x512xf32>
    %get3A_166 = arith.constant 160 : index
    %get3A_167 = arith.constant 0 : index
    %get3A_168 = vector.load %arg0[%get3A_166, %get3A_167] : memref<180x512xf32, #tpu.memory_space<vmem>>, vector<10x512xf32>
    %get3A_169 = arith.constant 170 : index
    %get3A_170 = arith.constant 0 : index
    %get3A_171 = vector.load %arg0[%get3A_169, %get3A_170] : memref<180x512xf32, #tpu.memory_space<vmem>>, vector<10x512xf32>
    %mul3A_172 = arith.constant 1.000000e-01 : f32
    %mul3A_173 = vector.broadcast %mul3A_172 : f32 to vector<10x512xf32>
    %mul3A_174 = arith.mulf %get3A_168, %mul3A_173 : vector<10x512xf32>
    %mul3A_175 = arith.mulf %mul3A_174, %get3A_19 : vector<10x512xf32>
    %add3A_176 = arith.addf %get3A_13, %mul3A_175 : vector<10x512xf32>
    %mul3A_177 = arith.constant 6.400000e+02 : f32
    %mul3A_178 = vector.broadcast %mul3A_177 : f32 to vector<10x512xf32>
    %mul3A_179 = arith.mulf %add3A_176, %mul3A_178 : vector<10x512xf32>
    %mul3A_180 = arith.constant 1.000000e-01 : f32
    %mul3A_181 = vector.broadcast %mul3A_180 : f32 to vector<10x512xf32>
    %mul3A_182 = arith.mulf %get3A_171, %mul3A_181 : vector<10x512xf32>
    %mul3A_183 = arith.mulf %mul3A_182, %get3A_22 : vector<10x512xf32>
    %add3A_184 = arith.addf %get3A_16, %mul3A_183 : vector<10x512xf32>
    %mul3A_185 = arith.constant 6.400000e+02 : f32
    %mul3A_186 = vector.broadcast %mul3A_185 : f32 to vector<10x512xf32>
    %mul3A_187 = arith.mulf %add3A_184, %mul3A_186 : vector<10x512xf32>
    %concatenate3A_188 = tpu.concatenate %mul3A_91, %mul3A_99, %mul3A_113, %mul3A_121, %mul3A_135, %mul3A_143, %mul3A_157, %mul3A_165, %mul3A_179, %mul3A_187 in 0 : vector<10x512xf32>, vector<10x512xf32>, vector<10x512xf32>, vector<10x512xf32>, vector<10x512xf32>, vector<10x512xf32>, vector<10x512xf32>, vector<10x512xf32>, vector<10x512xf32>, vector<10x512xf32> -> vector<100x512xf32>
    %swap3A_189 = arith.constant 0 : index
    %swap3A_190 = arith.constant 0 : index
    %swap3A_191 = vector.load %arg4[%swap3A_189, %swap3A_190] : memref<100x512xf32, #tpu.memory_space<vmem>>, vector<100x512xf32>
    tpu.vector_store %arg4[%swap3A_189, %swap3A_190], %concatenate3A_188 {strides = array<i32>} : memref<100x512xf32, #tpu.memory_space<vmem>>, vector<100x512xf32>,
    %get3A_192 = arith.constant 0 : index
    %get3A_193 = arith.constant 0 : index
    %get3A_194 = vector.load %arg1[%get3A_192, %get3A_193] : memref<10x512xf32, #tpu.memory_space<vmem>>, vector<10x512xf32>
    %gt3A = arith.constant 0xFF800000 : f32
    %gt3A_195 = vector.broadcast %gt3A : f32 to vector<10x512xf32>
    %gt3A_196 = arith.cmpf ogt, %get3A_194, %gt3A_195 : vector<10x512xf32>
    %jit3A = arith.constant 1.000000e+00 : f32
    %jit3A_197 = arith.constant 0.000000e+00 : f32
    %broadcast_in_dim3A = vector.broadcast %jit3A : f32 to vector<10x512xf32>
    %broadcast_in_dim3A_198 = vector.broadcast %jit3A_197 : f32 to vector<10x512xf32>
    %select_n3A = arith.select %gt3A_196, %broadcast_in_dim3A, %broadcast_in_dim3A_198 : vector<10x512xi1>, vector<10x512xf32>
    %swap3A_199 = arith.constant 0 : index
    %swap3A_200 = arith.constant 0 : index
    %swap3A_201 = vector.load %arg2[%swap3A_199, %swap3A_200] : memref<10x512xf32, #tpu.memory_space<vmem>>, vector<10x512xf32>
    tpu.vector_store %arg2[%swap3A_199, %swap3A_200], %select_n3A {strides = array<i32>} : memref<10x512xf32, #tpu.memory_space<vmem>>, vector<10x512xf32>,
    %iota3A = tpu.iota {dimensions = array<i32: 0>} : vector<512x512xi32>
    %iota3A_202 = tpu.iota {dimensions = array<i32: 1>} : vector<512x512xi32>
    %gt3A_203 = arith.cmpi sgt, %iota3A_202, %iota3A : vector<512x512xi32>
    %jit3A_204 = arith.constant 1.000000e+00 : f32
    %jit3A_205 = arith.constant 0.000000e+00 : f32
    %broadcast_in_dim3A_206 = vector.broadcast %jit3A_204 : f32 to vector<512x512xf32>
    %broadcast_in_dim3A_207 = vector.broadcast %jit3A_205 : f32 to vector<512x512xf32>
    %select_n3A_208 = arith.select %gt3A_203, %broadcast_in_dim3A_206, %broadcast_in_dim3A_207 : vector<512x512xi1>, vector<512x512xf32>
    %swap3A_209 = arith.constant 0 : index
    %swap3A_210 = arith.constant 0 : index
    %swap3A_211 = vector.load %arg6[%swap3A_209, %swap3A_210] : memref<512x512xf32, #tpu.memory_space<vmem>>, vector<512x512xf32>
    tpu.vector_store %arg6[%swap3A_209, %swap3A_210], %select_n3A_208 {strides = array<i32>} : memref<512x512xf32, #tpu.memory_space<vmem>>, vector<512x512xf32>,
    %eq3A = arith.cmpi eq, %iota3A_202, %iota3A : vector<512x512xi32>
    %jit3A_212 = arith.constant 1.000000e+00 : f32
    %jit3A_213 = arith.constant 0.000000e+00 : f32
    %broadcast_in_dim3A_214 = vector.broadcast %jit3A_212 : f32 to vector<512x512xf32>
    %broadcast_in_dim3A_215 = vector.broadcast %jit3A_213 : f32 to vector<512x512xf32>
    %select_n3A_216 = arith.select %eq3A, %broadcast_in_dim3A_214, %broadcast_in_dim3A_215 : vector<512x512xi1>, vector<512x512xf32>
    %swap3A_217 = arith.constant 0 : index
    %swap3A_218 = arith.constant 0 : index
    %swap3A_219 = vector.load %arg7[%swap3A_217, %swap3A_218] : memref<512x512xf32, #tpu.memory_space<vmem>>, vector<512x512xf32>
    tpu.vector_store %arg7[%swap3A_217, %swap3A_218], %select_n3A_216 {strides = array<i32>} : memref<512x512xf32, #tpu.memory_space<vmem>>, vector<512x512xf32>,
    %scan3A = arith.constant 0 : i32
    %scan3A_220 = arith.constant 10 : i32
    %scan3A_221 = arith.addi %scan3A, %scan3A_220 : i32
    %scan3A_222 = arith.constant 1 : i32
    scf.for %scan3A_224 = %scan3A to %scan3A_221 step %scan3A_222  : i32 {
      %get3A_225 = arith.index_cast %scan3A_224 : i32 to index
      %get3A_226 = arith.constant 0 : index
      %get3A_227 = vector.load %arg8[%get3A_225, %get3A_226] : memref<10x512xf32, #tpu.memory_space<vmem>>, vector<1x512xf32>
      %get3A_228 = arith.index_cast %scan3A_224 : i32 to index
      %get3A_229 = arith.constant 0 : index
      %get3A_230 = vector.load %arg9[%get3A_228, %get3A_229] : memref<10x512xf32, #tpu.memory_space<vmem>>, vector<1x512xf32>
      %get3A_231 = arith.index_cast %scan3A_224 : i32 to index
      %get3A_232 = arith.constant 0 : index
      %get3A_233 = vector.load %arg10[%get3A_231, %get3A_232] : memref<10x512xf32, #tpu.memory_space<vmem>>, vector<1x512xf32>
      %get3A_234 = arith.index_cast %scan3A_224 : i32 to index
      %get3A_235 = arith.constant 0 : index
      %get3A_236 = vector.load %arg11[%get3A_234, %get3A_235] : memref<10x512xf32, #tpu.memory_space<vmem>>, vector<1x512xf32>
      %get3A_237 = arith.index_cast %scan3A_224 : i32 to index
      %get3A_238 = arith.constant 0 : index
      %get3A_239 = vector.load %arg12[%get3A_237, %get3A_238] : memref<10x512xf32, #tpu.memory_space<vmem>>, vector<1x512xf32>
      %broadcast_in_dim3A_240 = arith.constant 0.000000e+00 : f32
      %broadcast_in_dim3A_241 = vector.broadcast %broadcast_in_dim3A_240 : f32 to vector<3x512xf32>
      %concatenate3A_242 = tpu.concatenate %get3A_227, %get3A_230, %get3A_233, %get3A_236, %get3A_239, %broadcast_in_dim3A_241 in 0 : vector<1x512xf32>, vector<1x512xf32>, vector<1x512xf32>, vector<1x512xf32>, vector<1x512xf32>, vector<3x512xf32> -> vector<8x512xf32>
      %get3A_243 = arith.constant 0 : index
      %get3A_244 = arith.constant 0 : index
      %get3A_245 = vector.load %arg7[%get3A_243, %get3A_244] : memref<512x512xf32, #tpu.memory_space<vmem>>, vector<512x512xf32>
      %dot_general3A = arith.constant dense<0.000000e+00> : vector<512x8xf32>
      %dot_general3A_246 = tpu.matmul %get3A_245, %concatenate3A_242, %dot_general3A {dimension_numbers = #tpu.dot_dimension_numbers<[1], [1], [0], [0], [0, 0, 1, 0], [], []>, precision = #tpu.contract_precision<fp32>, transpose_lhs_hint = false} : vector<512x512xf32>, vector<8x512xf32>, vector<512x8xf32> -> vector<512x8xf32>
      %slice3A = vector.extract_strided_slice %dot_general3A_246 {offsets = [0, 0], sizes = [512, 1], strides = [1, 1]} : vector<512x8xf32> to vector<512x1xf32>
      %slice3A_247 = vector.extract_strided_slice %dot_general3A_246 {offsets = [0, 1], sizes = [512, 1], strides = [1, 1]} : vector<512x8xf32> to vector<512x1xf32>
      %slice3A_248 = vector.extract_strided_slice %dot_general3A_246 {offsets = [0, 2], sizes = [512, 1], strides = [1, 1]} : vector<512x8xf32> to vector<512x1xf32>
      %slice3A_249 = vector.extract_strided_slice %dot_general3A_246 {offsets = [0, 3], sizes = [512, 1], strides = [1, 1]} : vector<512x8xf32> to vector<512x1xf32>
      %slice3A_250 = vector.extract_strided_slice %dot_general3A_246 {offsets = [0, 4], sizes = [512, 1], strides = [1, 1]} : vector<512x8xf32> to vector<512x1xf32>
      %get3A_251 = arith.index_cast %scan3A_224 : i32 to index
      %get3A_252 = arith.constant 0 : index
      %get3A_253 = vector.load %arg8[%get3A_251, %get3A_252] : memref<10x512xf32, #tpu.memory_space<vmem>>, vector<1x512xf32>
      %get3A_254 = arith.index_cast %scan3A_224 : i32 to index
      %get3A_255 = arith.constant 0 : index
      %get3A_256 = vector.load %arg9[%get3A_254, %get3A_255] : memref<10x512xf32, #tpu.memory_space<vmem>>, vector<1x512xf32>
      %get3A_257 = arith.index_cast %scan3A_224 : i32 to index
      %get3A_258 = arith.constant 0 : index
      %get3A_259 = vector.load %arg10[%get3A_257, %get3A_258] : memref<10x512xf32, #tpu.memory_space<vmem>>, vector<1x512xf32>
      %get3A_260 = arith.index_cast %scan3A_224 : i32 to index
      %get3A_261 = arith.constant 0 : index
      %get3A_262 = vector.load %arg11[%get3A_260, %get3A_261] : memref<10x512xf32, #tpu.memory_space<vmem>>, vector<1x512xf32>
      %get3A_263 = arith.index_cast %scan3A_224 : i32 to index
      %get3A_264 = arith.constant 0 : index
      %get3A_265 = vector.load %arg12[%get3A_263, %get3A_264] : memref<10x512xf32, #tpu.memory_space<vmem>>, vector<1x512xf32>
      %max3A_266 = vector.broadcast %slice3A : vector<512x1xf32> to vector<512x512xf32>
      %max3A_267 = vector.broadcast %get3A_253 : vector<1x512xf32> to vector<512x512xf32>
      %max3A_268 = arith.maximumf %max3A_266, %max3A_267 : vector<512x512xf32>
      %max3A_269 = vector.broadcast %slice3A_247 : vector<512x1xf32> to vector<512x512xf32>
      %max3A_270 = vector.broadcast %get3A_256 : vector<1x512xf32> to vector<512x512xf32>
      %max3A_271 = arith.maximumf %max3A_269, %max3A_270 : vector<512x512xf32>
      %min3A = vector.broadcast %slice3A_248 : vector<512x1xf32> to vector<512x512xf32>
      %min3A_272 = vector.broadcast %get3A_259 : vector<1x512xf32> to vector<512x512xf32>
      %min3A_273 = arith.minimumf %min3A, %min3A_272 : vector<512x512xf32>
      %min3A_274 = vector.broadcast %slice3A_249 : vector<512x1xf32> to vector<512x512xf32>
      %min3A_275 = vector.broadcast %get3A_262 : vector<1x512xf32> to vector<512x512xf32>
      %min3A_276 = arith.minimumf %min3A_274, %min3A_275 : vector<512x512xf32>
      %sub3A_277 = arith.subf %min3A_273, %max3A_268 : vector<512x512xf32>
      %max3A_278 = arith.constant 0.000000e+00 : f32
      %max3A_279 = vector.broadcast %max3A_278 : f32 to vector<512x512xf32>
      %max3A_280 = arith.maximumf %sub3A_277, %max3A_279 : vector<512x512xf32>
      %sub3A_281 = arith.subf %min3A_276, %max3A_271 : vector<512x512xf32>
      %max3A_282 = arith.constant 0.000000e+00 : f32
      %max3A_283 = vector.broadcast %max3A_282 : f32 to vector<512x512xf32>
      %max3A_284 = arith.maximumf %sub3A_281, %max3A_283 : vector<512x512xf32>
      %mul3A_285 = arith.mulf %max3A_280, %max3A_284 : vector<512x512xf32>
      %add3A_286 = vector.broadcast %slice3A_250 : vector<512x1xf32> to vector<512x512xf32>
      %add3A_287 = vector.broadcast %get3A_265 : vector<1x512xf32> to vector<512x512xf32>
      %add3A_288 = arith.addf %add3A_286, %add3A_287 : vector<512x512xf32>
      %sub3A_289 = arith.subf %add3A_288, %mul3A_285 : vector<512x512xf32>
      %add3A_290 = arith.constant 9.99999971E-10 : f32
      %add3A_291 = vector.broadcast %add3A_290 : f32 to vector<512x512xf32>
      %add3A_292 = arith.addf %sub3A_289, %add3A_291 : vector<512x512xf32>
      %div3A_293 = arith.divf %mul3A_285, %add3A_292 : vector<512x512xf32>
      %gt3A_294 = arith.constant 4.000000e-01 : f32
      %gt3A_295 = vector.broadcast %gt3A_294 : f32 to vector<512x512xf32>
      %gt3A_296 = arith.cmpf ogt, %div3A_293, %gt3A_295 : vector<512x512xf32>
      %jit3A_297 = arith.constant 1.000000e+00 : f32
      %jit3A_298 = arith.constant 0.000000e+00 : f32
      %broadcast_in_dim3A_299 = vector.broadcast %jit3A_297 : f32 to vector<512x512xf32>
      %broadcast_in_dim3A_300 = vector.broadcast %jit3A_298 : f32 to vector<512x512xf32>
      %select_n3A_301 = arith.select %gt3A_296, %broadcast_in_dim3A_299, %broadcast_in_dim3A_300 : vector<512x512xi1>, vector<512x512xf32>
      %get3A_302 = arith.constant 0 : index
      %get3A_303 = arith.constant 0 : index
      %get3A_304 = vector.load %arg6[%get3A_302, %get3A_303] : memref<512x512xf32, #tpu.memory_space<vmem>>, vector<512x512xf32>
      %mul3A_305 = arith.mulf %select_n3A_301, %get3A_304 : vector<512x512xf32>
      %swap3A_306 = arith.constant 0 : index
      %swap3A_307 = arith.constant 0 : index
      %swap3A_308 = vector.load %arg5[%swap3A_306, %swap3A_307] : memref<512x512xf32, #tpu.memory_space<vmem>>, vector<512x512xf32>
      tpu.vector_store %arg5[%swap3A_306, %swap3A_307], %mul3A_305 {strides = array<i32>} : memref<512x512xf32, #tpu.memory_space<vmem>>, vector<512x512xf32>,
      %get3A_309 = arith.index_cast %scan3A_224 : i32 to index
      %get3A_310 = arith.constant 0 : index
      %get3A_311 = vector.load %arg2[%get3A_309, %get3A_310] : memref<10x512xf32, #tpu.memory_space<vmem>>, vector<1x512xf32>
      %while3A = arith.constant true
      %while3A_312:2 = scf.while (%while3A_330 = %while3A, %while3A_331 = %get3A_311) : (i1, vector<1x512xf32>) -> (i1, vector<1x512xf32>) {
        scf.condition(%while3A_330) %while3A_330, %while3A_331 : i1, vector<1x512xf32>
      } do {
      ^bb0(%while3A_330: i1, %while3A_331: vector<1x512xf32>):
        %broadcast_in_dim3A_332 = vector.shape_cast %while3A_331 : vector<1x512xf32> to vector<1x512xf32>
        %broadcast_in_dim3A_333 = vector.broadcast %broadcast_in_dim3A_332 : vector<1x512xf32> to vector<8x512xf32>
        %get3A_334 = arith.constant 0 : index
        %get3A_335 = arith.constant 0 : index
        %get3A_336 = vector.load %arg5[%get3A_334, %get3A_335] : memref<512x512xf32, #tpu.memory_space<vmem>>, vector<512x512xf32>
        %dot_general3A_337 = arith.constant dense<0.000000e+00> : vector<8x512xf32>
        %dot_general3A_338 = tpu.matmul %broadcast_in_dim3A_333, %get3A_336, %dot_general3A_337 {dimension_numbers = #tpu.dot_dimension_numbers<[1], [0], [0], [1], [0, 0, 1, 1], [], []>, transpose_lhs_hint = false} : vector<8x512xf32>, vector<512x512xf32>, vector<8x512xf32> -> vector<8x512xf32>
        %slice3A_339 = vector.extract_strided_slice %dot_general3A_338 {offsets = [0, 0], sizes = [1, 512], strides = [1, 1]} : vector<8x512xf32> to vector<1x512xf32>
        %gt3A_340 = arith.constant 5.000000e-01 : f32
        %gt3A_341 = vector.broadcast %gt3A_340 : f32 to vector<1x512xf32>
        %gt3A_342 = arith.cmpf ogt, %slice3A_339, %gt3A_341 : vector<1x512xf32>
        %jit3A_343 = arith.constant 0.000000e+00 : f32
        %broadcast_in_dim3A_344 = vector.broadcast %jit3A_343 : f32 to vector<1x512xf32>
        %select_n3A_345 = arith.select %gt3A_342, %broadcast_in_dim3A_344, %get3A_311 : vector<1x512xi1>, vector<1x512xf32>
        %sub3A_346 = arith.subf %select_n3A_345, %while3A_331 : vector<1x512xf32>
        %abs3A = math.absf %sub3A_346 : vector<1x512xf32>
        %reduce_sum3A = vector.shape_cast %abs3A : vector<1x512xf32> to vector<1x1x512xf32>
        %reduce_sum3A_347 = arith.constant dense<0.000000e+00> : vector<1xf32>
        %reduce_sum3A_348 = vector.multi_reduction <add>, %reduce_sum3A, %reduce_sum3A_347 [1, 2] : vector<1x1x512xf32> to vector<1xf32>
        %reduce_sum3A_349 = vector.shape_cast %reduce_sum3A_348 : vector<1xf32> to vector<1x1x1xf32>
        %reduce_sum3A_350 = vector.extract %reduce_sum3A_349[0, 0, 0] : f32 from vector<1x1x1xf32>
        %gt3A_351 = arith.constant 0.000000e+00 : f32
        %gt3A_352 = arith.cmpf ogt, %reduce_sum3A_350, %gt3A_351 : f32
        scf.yield %gt3A_352, %select_n3A_345 : i1, vector<1x512xf32>
      }
      %swap3A_313 = arith.index_cast %scan3A_224 : i32 to index
      %swap3A_314 = arith.constant 0 : index
      %swap3A_315 = vector.load %arg2[%swap3A_313, %swap3A_314] : memref<10x512xf32, #tpu.memory_space<vmem>>, vector<1x512xf32>
      tpu.vector_store %arg2[%swap3A_313, %swap3A_314], %while3A_312#1 {strides = array<i32>} : memref<10x512xf32, #tpu.memory_space<vmem>>, vector<1x512xf32>,
      %broadcast_in_dim3A_316 = vector.shape_cast %while3A_312#1 : vector<1x512xf32> to vector<1x512xf32>
      %broadcast_in_dim3A_317 = vector.broadcast %broadcast_in_dim3A_316 : vector<1x512xf32> to vector<8x512xf32>
      %add3A_318 = arith.constant 1 : i32
      %add3A_319 = arith.addi %scan3A_224, %add3A_318 : i32
      %while3A_320 = arith.constant 0 : i32
      %while3A_321 = arith.constant 10 : i32
      %while3A_322 = arith.subi %while3A_321, %add3A_319 : i32
      %while3A_323 = arith.addi %add3A_319, %while3A_322 : i32
      %while3A_324 = arith.constant 1 : i32
      %while3A_325 = arith.divsi %while3A_322, %while3A_324 : i32
      %while3A_326 = arith.muli %while3A_325, %while3A_324 : i32
      %while3A_327 = arith.addi %add3A_319, %while3A_326 : i32
      %while3A_328 = arith.constant 1 : i32
      scf.for %while3A_330 = %add3A_319 to %while3A_327 step %while3A_328  : i32 {
        %get3A_331 = arith.index_cast %while3A_330 : i32 to index
        %get3A_332 = arith.constant 0 : index
        %get3A_333 = vector.load %arg8[%get3A_331, %get3A_332] : memref<10x512xf32, #tpu.memory_space<vmem>>, vector<1x512xf32>
        %get3A_334 = arith.index_cast %while3A_330 : i32 to index
        %get3A_335 = arith.constant 0 : index
        %get3A_336 = vector.load %arg9[%get3A_334, %get3A_335] : memref<10x512xf32, #tpu.memory_space<vmem>>, vector<1x512xf32>
        %get3A_337 = arith.index_cast %while3A_330 : i32 to index
        %get3A_338 = arith.constant 0 : index
        %get3A_339 = vector.load %arg10[%get3A_337, %get3A_338] : memref<10x512xf32, #tpu.memory_space<vmem>>, vector<1x512xf32>
        %get3A_340 = arith.index_cast %while3A_330 : i32 to index
        %get3A_341 = arith.constant 0 : index
        %get3A_342 = vector.load %arg11[%get3A_340, %get3A_341] : memref<10x512xf32, #tpu.memory_space<vmem>>, vector<1x512xf32>
        %get3A_343 = arith.index_cast %while3A_330 : i32 to index
        %get3A_344 = arith.constant 0 : index
        %get3A_345 = vector.load %arg12[%get3A_343, %get3A_344] : memref<10x512xf32, #tpu.memory_space<vmem>>, vector<1x512xf32>
        %max3A_346 = vector.broadcast %slice3A : vector<512x1xf32> to vector<512x512xf32>
        %max3A_347 = vector.broadcast %get3A_333 : vector<1x512xf32> to vector<512x512xf32>
        %max3A_348 = arith.maximumf %max3A_346, %max3A_347 : vector<512x512xf32>
        %max3A_349 = vector.broadcast %slice3A_247 : vector<512x1xf32> to vector<512x512xf32>
        %max3A_350 = vector.broadcast %get3A_336 : vector<1x512xf32> to vector<512x512xf32>
        %max3A_351 = arith.maximumf %max3A_349, %max3A_350 : vector<512x512xf32>
        %min3A_352 = vector.broadcast %slice3A_248 : vector<512x1xf32> to vector<512x512xf32>
        %min3A_353 = vector.broadcast %get3A_339 : vector<1x512xf32> to vector<512x512xf32>
        %min3A_354 = arith.minimumf %min3A_352, %min3A_353 : vector<512x512xf32>
        %min3A_355 = vector.broadcast %slice3A_249 : vector<512x1xf32> to vector<512x512xf32>
        %min3A_356 = vector.broadcast %get3A_342 : vector<1x512xf32> to vector<512x512xf32>
        %min3A_357 = arith.minimumf %min3A_355, %min3A_356 : vector<512x512xf32>
        %sub3A_358 = arith.subf %min3A_354, %max3A_348 : vector<512x512xf32>
        %max3A_359 = arith.constant 0.000000e+00 : f32
        %max3A_360 = vector.broadcast %max3A_359 : f32 to vector<512x512xf32>
        %max3A_361 = arith.maximumf %sub3A_358, %max3A_360 : vector<512x512xf32>
        %sub3A_362 = arith.subf %min3A_357, %max3A_351 : vector<512x512xf32>
        %max3A_363 = arith.constant 0.000000e+00 : f32
        %max3A_364 = vector.broadcast %max3A_363 : f32 to vector<512x512xf32>
        %max3A_365 = arith.maximumf %sub3A_362, %max3A_364 : vector<512x512xf32>
        %mul3A_366 = arith.mulf %max3A_361, %max3A_365 : vector<512x512xf32>
        %add3A_367 = vector.broadcast %slice3A_250 : vector<512x1xf32> to vector<512x512xf32>
        %add3A_368 = vector.broadcast %get3A_345 : vector<1x512xf32> to vector<512x512xf32>
        %add3A_369 = arith.addf %add3A_367, %add3A_368 : vector<512x512xf32>
        %sub3A_370 = arith.subf %add3A_369, %mul3A_366 : vector<512x512xf32>
        %add3A_371 = arith.constant 9.99999971E-10 : f32
        %add3A_372 = vector.broadcast %add3A_371 : f32 to vector<512x512xf32>
        %add3A_373 = arith.addf %sub3A_370, %add3A_372 : vector<512x512xf32>
        %div3A_374 = arith.divf %mul3A_366, %add3A_373 : vector<512x512xf32>
        %gt3A_375 = arith.constant 4.000000e-01 : f32
        %gt3A_376 = vector.broadcast %gt3A_375 : f32 to vector<512x512xf32>
        %gt3A_377 = arith.cmpf ogt, %div3A_374, %gt3A_376 : vector<512x512xf32>
        %jit3A_378 = arith.constant 1.000000e+00 : f32
        %jit3A_379 = arith.constant 0.000000e+00 : f32
        %broadcast_in_dim3A_380 = vector.broadcast %jit3A_378 : f32 to vector<512x512xf32>
        %broadcast_in_dim3A_381 = vector.broadcast %jit3A_379 : f32 to vector<512x512xf32>
        %select_n3A_382 = arith.select %gt3A_377, %broadcast_in_dim3A_380, %broadcast_in_dim3A_381 : vector<512x512xi1>, vector<512x512xf32>
        %dot_general3A_383 = arith.constant dense<0.000000e+00> : vector<8x512xf32>
        %dot_general3A_384 = tpu.matmul %broadcast_in_dim3A_317, %select_n3A_382, %dot_general3A_383 {dimension_numbers = #tpu.dot_dimension_numbers<[1], [0], [0], [1], [0, 0, 1, 1], [], []>, transpose_lhs_hint = false} : vector<8x512xf32>, vector<512x512xf32>, vector<8x512xf32> -> vector<8x512xf32>
        %get3A_385 = arith.index_cast %while3A_330 : i32 to index
        %get3A_386 = arith.constant 0 : index
        %get3A_387 = vector.load %arg2[%get3A_385, %get3A_386] : memref<10x512xf32, #tpu.memory_space<vmem>>, vector<1x512xf32>
        %slice3A_388 = vector.extract_strided_slice %dot_general3A_384 {offsets = [0, 0], sizes = [1, 512], strides = [1, 1]} : vector<8x512xf32> to vector<1x512xf32>
        %gt3A_389 = arith.constant 5.000000e-01 : f32
        %gt3A_390 = vector.broadcast %gt3A_389 : f32 to vector<1x512xf32>
        %gt3A_391 = arith.cmpf ogt, %slice3A_388, %gt3A_390 : vector<1x512xf32>
        %jit3A_392 = arith.constant 0.000000e+00 : f32
        %broadcast_in_dim3A_393 = vector.broadcast %jit3A_392 : f32 to vector<1x512xf32>
        %select_n3A_394 = arith.select %gt3A_391, %broadcast_in_dim3A_393, %get3A_387 : vector<1x512xi1>, vector<1x512xf32>
        %swap3A_395 = arith.index_cast %while3A_330 : i32 to index
        %swap3A_396 = arith.constant 0 : index
        %swap3A_397 = vector.load %arg2[%swap3A_395, %swap3A_396] : memref<10x512xf32, #tpu.memory_space<vmem>>, vector<1x512xf32>
        tpu.vector_store %arg2[%swap3A_395, %swap3A_396], %select_n3A_394 {strides = array<i32>} : memref<10x512xf32, #tpu.memory_space<vmem>>, vector<1x512xf32>,
      }
      %while3A_329 = arith.constant 1 : i32
      scf.for %while3A_330 = %while3A_327 to %while3A_323 step %while3A_329  : i32 {
        %get3A_331 = arith.index_cast %while3A_330 : i32 to index
        %get3A_332 = arith.constant 0 : index
        %get3A_333 = vector.load %arg8[%get3A_331, %get3A_332] : memref<10x512xf32, #tpu.memory_space<vmem>>, vector<1x512xf32>
        %get3A_334 = arith.index_cast %while3A_330 : i32 to index
        %get3A_335 = arith.constant 0 : index
        %get3A_336 = vector.load %arg9[%get3A_334, %get3A_335] : memref<10x512xf32, #tpu.memory_space<vmem>>, vector<1x512xf32>
        %get3A_337 = arith.index_cast %while3A_330 : i32 to index
        %get3A_338 = arith.constant 0 : index
        %get3A_339 = vector.load %arg10[%get3A_337, %get3A_338] : memref<10x512xf32, #tpu.memory_space<vmem>>, vector<1x512xf32>
        %get3A_340 = arith.index_cast %while3A_330 : i32 to index
        %get3A_341 = arith.constant 0 : index
        %get3A_342 = vector.load %arg11[%get3A_340, %get3A_341] : memref<10x512xf32, #tpu.memory_space<vmem>>, vector<1x512xf32>
        %get3A_343 = arith.index_cast %while3A_330 : i32 to index
        %get3A_344 = arith.constant 0 : index
        %get3A_345 = vector.load %arg12[%get3A_343, %get3A_344] : memref<10x512xf32, #tpu.memory_space<vmem>>, vector<1x512xf32>
        %max3A_346 = vector.broadcast %slice3A : vector<512x1xf32> to vector<512x512xf32>
        %max3A_347 = vector.broadcast %get3A_333 : vector<1x512xf32> to vector<512x512xf32>
        %max3A_348 = arith.maximumf %max3A_346, %max3A_347 : vector<512x512xf32>
        %max3A_349 = vector.broadcast %slice3A_247 : vector<512x1xf32> to vector<512x512xf32>
        %max3A_350 = vector.broadcast %get3A_336 : vector<1x512xf32> to vector<512x512xf32>
        %max3A_351 = arith.maximumf %max3A_349, %max3A_350 : vector<512x512xf32>
        %min3A_352 = vector.broadcast %slice3A_248 : vector<512x1xf32> to vector<512x512xf32>
        %min3A_353 = vector.broadcast %get3A_339 : vector<1x512xf32> to vector<512x512xf32>
        %min3A_354 = arith.minimumf %min3A_352, %min3A_353 : vector<512x512xf32>
        %min3A_355 = vector.broadcast %slice3A_249 : vector<512x1xf32> to vector<512x512xf32>
        %min3A_356 = vector.broadcast %get3A_342 : vector<1x512xf32> to vector<512x512xf32>
        %min3A_357 = arith.minimumf %min3A_355, %min3A_356 : vector<512x512xf32>
        %sub3A_358 = arith.subf %min3A_354, %max3A_348 : vector<512x512xf32>
        %max3A_359 = arith.constant 0.000000e+00 : f32
        %max3A_360 = vector.broadcast %max3A_359 : f32 to vector<512x512xf32>
        %max3A_361 = arith.maximumf %sub3A_358, %max3A_360 : vector<512x512xf32>
        %sub3A_362 = arith.subf %min3A_357, %max3A_351 : vector<512x512xf32>
        %max3A_363 = arith.constant 0.000000e+00 : f32
        %max3A_364 = vector.broadcast %max3A_363 : f32 to vector<512x512xf32>
        %max3A_365 = arith.maximumf %sub3A_362, %max3A_364 : vector<512x512xf32>
        %mul3A_366 = arith.mulf %max3A_361, %max3A_365 : vector<512x512xf32>
        %add3A_367 = vector.broadcast %slice3A_250 : vector<512x1xf32> to vector<512x512xf32>
        %add3A_368 = vector.broadcast %get3A_345 : vector<1x512xf32> to vector<512x512xf32>
        %add3A_369 = arith.addf %add3A_367, %add3A_368 : vector<512x512xf32>
        %sub3A_370 = arith.subf %add3A_369, %mul3A_366 : vector<512x512xf32>
        %add3A_371 = arith.constant 9.99999971E-10 : f32
        %add3A_372 = vector.broadcast %add3A_371 : f32 to vector<512x512xf32>
        %add3A_373 = arith.addf %sub3A_370, %add3A_372 : vector<512x512xf32>
        %div3A_374 = arith.divf %mul3A_366, %add3A_373 : vector<512x512xf32>
        %gt3A_375 = arith.constant 4.000000e-01 : f32
        %gt3A_376 = vector.broadcast %gt3A_375 : f32 to vector<512x512xf32>
        %gt3A_377 = arith.cmpf ogt, %div3A_374, %gt3A_376 : vector<512x512xf32>
        %jit3A_378 = arith.constant 1.000000e+00 : f32
        %jit3A_379 = arith.constant 0.000000e+00 : f32
        %broadcast_in_dim3A_380 = vector.broadcast %jit3A_378 : f32 to vector<512x512xf32>
        %broadcast_in_dim3A_381 = vector.broadcast %jit3A_379 : f32 to vector<512x512xf32>
        %select_n3A_382 = arith.select %gt3A_377, %broadcast_in_dim3A_380, %broadcast_in_dim3A_381 : vector<512x512xi1>, vector<512x512xf32>
        %dot_general3A_383 = arith.constant dense<0.000000e+00> : vector<8x512xf32>
        %dot_general3A_384 = tpu.matmul %broadcast_in_dim3A_317, %select_n3A_382, %dot_general3A_383 {dimension_numbers = #tpu.dot_dimension_numbers<[1], [0], [0], [1], [0, 0, 1, 1], [], []>, transpose_lhs_hint = false} : vector<8x512xf32>, vector<512x512xf32>, vector<8x512xf32> -> vector<8x512xf32>
        %get3A_385 = arith.index_cast %while3A_330 : i32 to index
        %get3A_386 = arith.constant 0 : index
        %get3A_387 = vector.load %arg2[%get3A_385, %get3A_386] : memref<10x512xf32, #tpu.memory_space<vmem>>, vector<1x512xf32>
        %slice3A_388 = vector.extract_strided_slice %dot_general3A_384 {offsets = [0, 0], sizes = [1, 512], strides = [1, 1]} : vector<8x512xf32> to vector<1x512xf32>
        %gt3A_389 = arith.constant 5.000000e-01 : f32
        %gt3A_390 = vector.broadcast %gt3A_389 : f32 to vector<1x512xf32>
        %gt3A_391 = arith.cmpf ogt, %slice3A_388, %gt3A_390 : vector<1x512xf32>
        %jit3A_392 = arith.constant 0.000000e+00 : f32
        %broadcast_in_dim3A_393 = vector.broadcast %jit3A_392 : f32 to vector<1x512xf32>
        %select_n3A_394 = arith.select %gt3A_391, %broadcast_in_dim3A_393, %get3A_387 : vector<1x512xi1>, vector<1x512xf32>
        %swap3A_395 = arith.index_cast %while3A_330 : i32 to index
        %swap3A_396 = arith.constant 0 : index
        %swap3A_397 = vector.load %arg2[%swap3A_395, %swap3A_396] : memref<10x512xf32, #tpu.memory_space<vmem>>, vector<1x512xf32>
        tpu.vector_store %arg2[%swap3A_395, %swap3A_396], %select_n3A_394 {strides = array<i32>} : memref<10x512xf32, #tpu.memory_space<vmem>>, vector<1x512xf32>,
      }
    }
    %scan3A_223 = arith.constant 10 : i32
    return
  }
}

</mosaic_0001>

<sc_bundles>
// kernel: kernel.5.cloned.1.call-start
scs
__scs_entry_jumppad:
0x0: {  	(pc) =	sbr.rel $0x88, $3  }
0x1: {  	(tag) =	ssettag $0x0;
	lr =	simm.s32 $0x1  }
0x2: {  	[smem:$0x3F9D] =	sst lr;
	_ =	strace $0xD0000000  }
0x3: {  	_ = 	snop  }
0x4: {  	_ = 	snop  }
0x5: {  	_ = 	snop  }
0x6: {  	_ = 	snop  }
0x7: {  	_ = 	snop  }
__scs_overlays_trampoline_lowered:
0x8: {  	[smem:$0x3FAC] =	sst s0  }
0x9: {  	[smem:$0x3FAD] =	sst s1  }
0xa: {  	[smem:$0x3FAE] =	sst s2  }
0xb: {  	[smem:$0x3FAF] =	sst s3  }
0xc: {  	[smem:$0x3FB0] =	sst s4  }
0xd: {  	[smem:$0x3FB1] =	sst s5  }
0xe: {  	[smem:$0x3FB2] =	sst s6  }
0xf: {  	[smem:$0x3FB3] =	sst s7  }
0x10: {  	[smem:$0x3FB4] =	sst s8  }
0x11: {  	[smem:$0x3FB5] =	sst s9;
	s0 =	simm.s32 @!p0 $0x0  }
0x12: {  	s1 =	sld [smem:$0x3F9B];
	s0 =	simm.s32 @p0 $0x1  }
0x13: {  	[smem:$0x3FB6] =	sst s0;
	s0 =	simm.s32 @!p1 $0x0  }
0x14: {  	s2 =	sld [smem:$0x3F9A];
	s0 =	simm.s32 @p1 $0x1  }
0x15: {  	[smem:$0x3FB7] =	sst s0;
	s0 =	simm.s32 @!p2 $0x0  }
0x16: {  	s3 =	sld [smem:$0x3FDB];
	s0 =	simm.s32 @p2 $0x1  }
0x17: {  	s4 =	simm.s32 $0x1BF5;
	[smem:$0x3FB9] =	sst s0  }
0x18: {  	s0 =	sld [smem:$0x3F9C];
	_ =	swait.ge [sflag:s4], $0x0  }
0x19: {  	s7 =	sld [smem:$0x3F9D]  }
0x1a: {  	s8 =	sadd.s32 $0xFFFFE003, lr  }
0x1b: {  	s9 =	sadd.s32 $0xFFFFFEF7, lr;
	s5 =	simm.s32 $0xFFFFFFFF;
	p2 =	slt.u32 s8, $0xFFFFF086  }
0x1c: {  	p1 =	slt.u32 s9, $0xF7A;
	s5 =	simm.s32 @!p2 $0x0  }
0x1d: {  	s5 =	simm.s32 @p1 $0x1;
	p0 =	seq.s32 s7, s2  }
0x1e: {  	s7 =	smul.u32 @!p0 $0xF7A, s2;
	p2 =	seq.s32 @!p0 s5, $0x0  }
0x1f: {  	s9 =	smul.u32 $0xF7A, s1;
	s8 =	simm.s32 @!p0 $0x1BF5;
	p2 =	por !p2, p0  }
0x20: {  	[sflag:s8] =	ssyncset.s32 @!p0 $0xFFFFF086;
	s6 =	sadd.s32 @!p0 s3, s7;
	s7 =	simm.s32 @!p0 $0x108  }
0x21: {  	s3 =	sadd.s32 s3, s9;
	s6 =	sadd.s32 @!p0 $0x88, s6;
	s7 =	simm.s32 @p2 $0x1082  }
0x22: {  	[simem:s7], [sflag:s8] =	dma.local @!p0 [hbm:s6], $0xF7A  }
0x23: {  	s9 =	sor.u32 $0xD0000000, s2;
	s6 =	simm.s32 $0x108;
	_ =	swait.ge @!p0 [sflag:s8], $0x0  }
0x24: {  	s3 =	sadd.s32 $0x88, s3;
	s6 =	simm.s32 @!p1 $0x1082;
	[sflag:s4] =	ssyncset.s32 $0xFFFFF086  }
0x25: {  	[simem:s6], [sflag:s4] =	dma.local [hbm:s3], $0xF7A  }
0x26: {  	[smem:$0x3F9D] =	sst s1;
	(tag) =	ssettag s2;
	_ =	strace s9  }
0x27: {  	s1 =	sld [smem:$0x3FAD]  }
0x28: {  	s2 =	sld [smem:$0x3FAE]  }
0x29: {  	s4 =	sld [smem:$0x3FB0]  }
0x2a: {  	p0 =	seq.s32 s5, $0x0;
	s5 =	sld [smem:$0x3FB1]  }
0x2b: {  	s6 =	sld [smem:$0x3FB2]  }
0x2c: {  	s7 =	sld [smem:$0x3FB3]  }
0x2d: {  	s3 =	simm.s32 $0x108;
	s8 =	sld [smem:$0x3FB4]  }
0x2e: {  	s3 =	simm.s32 @!p0 $0x1082;
	s9 =	sld [smem:$0x3FB5]  }
0x2f: {  	lr =	sadd.s32 s0, s3;
	s0 =	sld [smem:$0x3FAC]  }
0x30: {  	s3 =	sld [smem:$0x3FAF]  }
0x31: {  	[smem:$0x3FB8] =	sst s10  }
0x32: {  	s10 =	sld [smem:$0x3FB6];
	_ =	sdelay $0x3  }
0x33: {  	p0 =	seq.s32 s10, $0x1;
	s10 =	sld [smem:$0x3FB8];
	_ =	sdelay $0x3  }
0x34: {  	[smem:$0x3FB8] =	sst s10  }
0x35: {  	s10 =	sld [smem:$0x3FB7];
	_ =	sdelay $0x3  }
0x36: {  	p1 =	seq.s32 s10, $0x1;
	s10 =	sld [smem:$0x3FB8];
	_ =	sdelay $0x3  }
0x37: {  	[smem:$0x3FB8] =	sst s10  }
0x38: {  	s10 =	sld [smem:$0x3FB9]  }
0x39: {  	_ = 	snop;
	(pc) =	sbr.ind lr, $3  }
0x3a: {  	_ = 	snop  }
0x3b: {  	_ = 	snop  }
0x3c: {  	p2 =	seq.s32 s10, $0x1;
	s10 =	sld [smem:$0x3FB8]  }
0x3d: {  	_ =	shalt  }
0x3e: {  	_ =	shalt  }
0x3f: {  	_ =	shalt  }
0x40: {  	_ =	shalt  }
0x41: {  	_ =	shalt  }
0x42: {  	_ =	shalt  }
0x43: {  	_ =	shalt  }
0x44: {  	_ =	shalt  }
0x45: {  	_ =	shalt  }
0x46: {  	_ =	shalt  }
0x47: {  	_ =	shalt  }
0x48: {  	_ =	shalt  }
0x49: {  	_ =	shalt  }
0x4a: {  	_ =	shalt  }
0x4b: {  	_ =	shalt  }
0x4c: {  	_ =	shalt  }
0x4d: {  	_ =	shalt  }
0x4e: {  	_ =	shalt  }
0x4f: {  	_ =	shalt  }
0x50: {  	_ =	shalt  }
0x51: {  	_ =	shalt  }
0x52: {  	_ =	shalt  }
0x53: {  	_ =	shalt  }
0x54: {  	_ =	shalt  }
0x55: {  	_ =	shalt  }
0x56: {  	_ =	shalt  }
0x57: {  	_ =	shalt  }
0x58: {  	_ =	shalt  }
0x59: {  	_ =	shalt  }
0x5a: {  	_ =	shalt  }
0x5b: {  	_ =	shalt  }
0x5c: {  	_ =	shalt  }
0x5d: {  	_ =	shalt  }
0x5e: {  	_ =	shalt  }
0x5f: {  	_ =	shalt  }
0x60: {  	_ =	shalt  }
0x61: {  	_ =	shalt  }
0x62: {  	_ =	shalt  }
0x63: {  	_ =	shalt  }
0x64: {  	_ =	shalt  }
0x65: {  	_ =	shalt  }
0x66: {  	_ =	shalt  }
0x67: {  	_ =	shalt  }
0x68: {  	_ =	shalt  }
0x69: {  	_ =	shalt  }
0x6a: {  	_ =	shalt  }
0x6b: {  	_ =	shalt  }
0x6c: {  	_ =	shalt  }
0x6d: {  	_ =	shalt  }
0x6e: {  	_ =	shalt  }
0x6f: {  	_ =	shalt  }
0x70: {  	_ =	shalt  }
0x71: {  	_ =	shalt  }
0x72: {  	_ =	shalt  }
0x73: {  	_ =	shalt  }
0x74: {  	_ =	shalt  }
0x75: {  	_ =	shalt  }
0x76: {  	_ =	shalt  }
0x77: {  	_ =	shalt  }
0x78: {  	_ =	shalt  }
0x79: {  	_ =	shalt  }
0x7a: {  	_ =	shalt  }
0x7b: {  	_ =	shalt  }
0x7c: {  	_ =	shalt  }
0x7d: {  	_ =	shalt  }
0x7e: {  	_ =	shalt  }
0x7f: {  	_ =	shalt  }
0x80: {  	_ =	shalt  }
0x81: {  	_ =	shalt  }
0x82: {  	_ =	shalt  }
0x83: {  	_ =	shalt  }
0x84: {  	_ =	shalt  }
0x85: {  	_ =	shalt  }
0x86: {  	_ =	shalt  }
0x87: {  	_ =	shalt  }
.Lfunc_end0:
.L_simem_size_0:
called_computation_lowered:
.L_overlay_start_0:
0x88: {  	s2 =	sld [smem:$0x3FD9]  }
0x89: {  	s3 =	sld [smem:$0x3FFE];
	_ =	sdelay $0x1  }
0x8a: {  	s1 =	srdreg.scid  }
0x8b: {  	s0 =	sand.u32 $0x1, s1  }
0x8c: {  	s17 =	sshll.u32 s0, $0xA;
	s2 =	sadd.s32 s3, s2  }
0x8d: {  	s2 =	sadd.s32 s2, s17  }
0x8e: {  	[smem:$0x3FC4] =	sst s2  }
0x8f: {  	_ = 	snop  }
0x90: {  	s2 =	sld [smem:$0x3FD0];
	(tm) =	ssettm $0x1  }
0x91: {  	s18 =	sld [smem:$0x3FFB];
	_ =	sdelay $0x3  }
0x92: {  	_ =	strace s18  }
0x93: {  	s3 =	sld [smem:$0x3FFC];
	_ =	sdelay $0x3  }
0x94: {  	_ =	strace s3  }
0x95: {  	s3 =	sld [smem:$0x3FFD];
	_ =	sdelay $0x3  }
0x96: {  	_ =	strace s3  }
0x97: {  	_ =	strace $0x8FFFFFFF  }
0x98: {  	s19 =	sld [smem:$0x3FDB];
	_ =	sdelay $0x1  }
0x99: {  	s4 =	simm.s32 $_scs_section_size  }
0x9a: {  	s5 =	simm.s32 $_size__tile_overlayer_lowered;
	s6 =	simm.s32 $_tile_overlayer_lowered  }
0x9b: {  	s22 =	simm.s32 $0x1BFF;
	s21 =	sshll.u32 s6, $0x1;
	s3 =	sadd.s32 s4, s19  }
0x9c: {  	s7 =	simm.s32 $0x0;
	s20 =	sshll.u32 s5, $0x1;
	s5 =	sadd.s32 s21, s3  }
0x9d: {  	[timem:s7], [sflag:s22] =	dma.local [hbm:s5], s20  }
0x9e: {  	_ =	swait.ge [sflag:s22], s20  }
0x9f: {  	s4 =	ssub.s32 $0x0, s20;
	[sflag:s22] =	ssyncset.done $0x0  }
0xa0: {  	[sflag:s22] =	ssyncadd.s32 s4;
	_ =	sdelay $0x1  }
0xa1: {  	s23 =	simm.s32 $0x1B8B  }
0xa2: {  	_ =	swait.ge [sflag:s23], $0x1  }
0xa3: {  	[sflag:s23] =	ssyncset.done $0x0  }
0xa4: {  	s25 =	simm.s32 $0x1B8E;
	s24 =	sld [smem:$0x3FFE];
	[sflag:s23] =	ssyncadd.s32 $0xFFFFFFFF  }
0xa5: {  	s26 =	simm.s32 $execute0_lowered;
	[smem:$0x3FD2] =	sst s25  }
0xa6: {  	s5 =	sshll.u32 s26, $0x1;
	_ =	strace $0x80000046;
	[dreg:$0x1] =	wrdreg $0xFFFFFFFF  }
0xa7: {  	s28 =	simm.s32 $_size_execute0_lowered;
	s3 =	sadd.s32 s3, s5;
	[dreg:$0x0] =	wrdreg $0x0  }
0xa8: {  	s5 =	sshll.u32 s28, $0x1;
	[dreg:$0x2] =	wrdreg s3  }
0xa9: {  	[dreg:$0x3] =	wrdreg s5  }
0xaa: {  	[dreg:$0x4] =	wrdreg $0xC0  }
0xab: {  	_ =	task [dreg:s7], $0x5FFFF  }
0xac: {  	[dreg:$0x1] =	wrdreg $0xFFFFFFFF  }
0xad: {  	[dreg:$0x0] =	wrdreg $0x60  }
0xae: {  	[dreg:$0x2] =	wrdreg s24  }
0xaf: {  	[dreg:$0x3] =	wrdreg s2  }
0xb0: {  	[dreg:$0x4] =	wrdreg $0x9  }
0xb1: {  	_ =	task.clear_ibuf [dreg:s7], $0x5FFFF;
	_ =	strace $0x90000046  }
0xb2: {  	s29 =	simm.s32 $0x9;
	_ =	strace $0x80000048  }
0xb3: {  	_ =	swait.ge [sflag:s29], $0x1  }
0xb4: {  	[sflag:s29] =	ssyncadd.s32 $0xFFFFFFFF  }
0xb5: {  	_ =	strace $0x90000048  }
0xb6: {  	_ =	sfence  }
0xb7: {  	s30 =	sld [smem:$0x0];
	_ =	sdelay $0x2  }
0xb8: {  	s31 =	sshll.u32 s1, $0xD;
	s1 =	sshrl.u32 s1, $0x2  }
0xb9: {  	s3 =	sand.u32 $0x4000, s31;
	s1 =	sadd.s32 s1, s30  }
0xba: {  	s0 =	sor.u32 s3, s0;
	s1 =	sshll.u32 s1, $0x11  }
0xbb: {  	s0 =	sor.u32 s1, s0  }
0xbc: {  	s0 =	sadd.s32 $0x8F2B, s0  }
0xbd: {  	[sflag:s0] =	ssyncadd.remote.s32 $0x1  }
0xbe: {  	_ =	sfence.sel $0xFFFF  }
0xbf: {  	[dreg:$0x0] =	wrdreg $0xFFFFFFFF;
	(pc) =	sbr.abs _section_cstart, $3  }
0xc0: {  	[dreg:$0x1] =	wrdreg $0xFFFFFFFF  }
0xc1: {  	_ =	task.clear_ibuf [dreg:s7], $0x2FFFF;
	_ =	strace $0x9FFFFFFF  }
0xc2: {  	(tm) =	ssettm $0x7FFFFFFF  }
0xc3: {  	_ =	shalt  }
tec
execute0_lowered:
.L_overlay_start_1:
0x0: {  	(tag) =	ssettag $0x1  }
0x1: {  	s1 =	srdreg.scid;
	s0 =	stileid.u32  }
0x2: {  	s2 =	rddreg [dreg:$0x0];
	s6 =	sand.u32 $0x1, s1;
	s31 =	sshll.u32 s0, $0x1  }
0x3: {  	s4 =	rddreg [dreg:$0x1];
	s3 =	simm.s32 $0x0;
	s7 =	sor.u32 s6, s31  }
0x4: {  	[smem:$0x7FF] =	sst s3;
	s5 =	smul.u32 $0x14, s7  }
0x5: {  	s8 =	simm.s32 $0x1;
	s1 =	rddreg [dreg:$0x2];
	_ =	strace $0x80000047  }
0x6: {  	s10 =	ssub.s32 $0x2, s6;
	s5 =	sadd.s32 s4, s5;
	s4 =	simm.s32 $0x2  }
0x7: {  	[tilespmem:s3], [sflag:$0x2] =	stream.linear.gather [hbm4b:s5+s3], $0xA0, $0x38;
	[tilespmem:$0x5100] =	vst v63  }
0x8: {  	s6 =	simm.s32 $0xA0;
	s11 =	sshrl.u32 s10, $0x1;
	_ =	swait.ge [sflag:s4], $0xA0  }
0x9: {  	s9 =	smul.u32 $0xA00, s7;
	s10 =	ssub.s32 s10, s11;
	[sflag:s4] =	ssyncset.done $0x0  }
0xa: {  	s7 =	simm.s32 $0x100;
	s10 =	smax.u32 s10, $0x1;
	[sflag:s4] =	ssyncadd.s32 $0xFFFFFF60  }
0xb: {  	[tilespmem:s7], [sflag:$0x1] =	stream.indirect.gather [hbm4b:s2+s6], $0x80, s3, s6, $0xb8;
	[tilespmem:$0x5100] =	vst v63  }
0xc: {  	p0 =	sne.s32 s10, $0x1;
	_ =	swait.ge [sflag:s8], $0x5000  }
.Ltmp0:
0xd: {  	s9 =	sadd.s32 s9, s2;
	[sflag:s8] =	ssyncset.done $0x0;
	(pc) =	sbr.rel @!p0 .LBB2_2-.Ltmp0, $4  }
0xe: {  	s9 =	sadd.s32 $0x4E200, s9;
	[sflag:s8] =	ssyncadd.s32 $0xFFFFB000  }
0xf: {  	[hbm4b:s9+s3] =	stream.linear.scatter [tilespmem:s7], [sflag:$0x2], $0x5000, $0x38;
	[tilespmem:$0x5100] =	vst v63  }
0x10: {  	_ =	swait.ge [sflag:s4], $0x5000  }
0x11: {  	s10 =	sadd.s32 $0xFFFFFFFF, s10;
	[sflag:s4] =	ssyncset.done $0x0  }
.LBB2_1:
0x12: {  	p0 =	sne.s32 s10, $0x1;
	s10 =	sadd.s32 $0xFFFFFFFF, s10;
	[sflag:s4] =	ssyncadd.s32 $0xFFFFB000  }
0x13: {  	[tilespmem:s3], [sflag:$0x2] =	stream.linear.gather [hbm4b:s5+s3], $0xA0, $0x38;
	[tilespmem:$0x5100] =	vst v63  }
0x14: {  	_ =	swait.ge [sflag:s4], $0xA0  }
0x15: {  	[sflag:s4] =	ssyncset.done $0x0  }
0x16: {  	[sflag:s4] =	ssyncadd.s32 $0xFFFFFF60  }
0x17: {  	[tilespmem:s7], [sflag:$0x1] =	stream.indirect.gather [hbm4b:s2+s6], $0x80, s3, s6, $0xb8;
	[tilespmem:$0x5100] =	vst v63  }
0x18: {  	_ =	swait.ge [sflag:s8], $0x5000  }
.Ltmp1:
0x19: {  	[sflag:s8] =	ssyncset.done $0x0;
	(pc) =	sbr.rel @p0 .LBB2_1-.Ltmp1, $4  }
0x1a: {  	[sflag:s8] =	ssyncadd.s32 $0xFFFFB000  }
0x1b: {  	[hbm4b:s9+s3] =	stream.linear.scatter [tilespmem:s7], [sflag:$0x2], $0x5000, $0x38;
	[tilespmem:$0x5100] =	vst v63  }
0x1c: {  	_ =	swait.ge [sflag:s4], $0x5000  }
0x1d: {  	[sflag:s4] =	ssyncset.done $0x0  }
.LBB2_2:
0x1e: {  	[sflag:s4] =	ssyncadd.s32 $0xFFFFB000  }
0x1f: {  	_ =	sfence.sel $0x180000  }
0x20: {  	[bflag:$0x0] =	sbarrier.arrive $0xFFFF  }
0x21: {  	p0 =	sne.s32 s0, $0x0;
	_ =	strace $0x90000047  }
0x22: {  	s0 =	sadd.s32 @!p0 $0x100000, s1;
	[bflag:$0x2] =	sbarrier.arrive $0xFFFF  }
0x23: {  	[sflag:s0] =	ssyncadd.tile.s32 @!p0 $0x1;
	_ =	shalt  }
.Lfunc_end2:
_tile_overlayer_lowered:
.L_overlay_start_2:
0x24: {  	(tag) =	ssettag $0x2  }
0x25: {  	s0 =	rddreg [dreg:$0x0];
	s2 =	stileid.u32  }
0x26: {  	s1 =	rddreg [dreg:$0x1];
	p0 =	sne.s32 s2, $0x0  }
0x27: {  	s3 =	rddreg [dreg:$0x2];
	[bflag:$0x3] =	sbarrier.arrive $0xFFFF;
	s2 =	simm.s32 @!p0 $0x1C02  }
0x28: {  	[timem:s3], [sflag:s2] =	dma.local @!p0 [hbm:s0], s1  }
0x29: {  	s0 =	simm.s32 @!p0 $0x2  }
0x2a: {  	_ =	swait.ge @!p0 [sflag:s0], s1  }
0x2b: {  	s1 =	ssub.s32 @!p0 $0x0, s1;
	[sflag:s0] =	ssyncset.done @!p0 $0x0  }
0x2c: {  	[sflag:s0] =	ssyncadd.s32 @!p0 s1  }
0x2d: {  	[bflag:$0x3] =	sbarrier.arrive $0xFFFF  }
0x2e: {  	_ =	shalt  }

</sc_bundles>
